<compile_context>
chip_gen: v7x
topology: tpu7x:2x2x1
jax: 0.10.2.dev20260603
libtpu: 0.0.44.dev20260713+nightly
codegen_flags: <defaults>
</compile_context>

<pallas_src>
import functools

import jax
import jax.numpy as jnp
from jax import lax
from jax.experimental import pallas as pl
from jax.experimental.pallas import tpu as pltpu
from jax.experimental.pallas import tpu_sc as plsc

_K = 8


def _topk_body(q_ref, mem_ref, w_ref, b_ref, wout_ref, iout_ref, mh_ref, mn_ref):
    f32 = jnp.float32
    m_rows = mem_ref.shape[0]

    @pl.when(pl.program_id(0) == 0)
    def _():
        t = jnp.tanh(
            lax.dot_general(mem_ref[...], w_ref[...], (((1,), (1,)), ((), ())),
                            preferred_element_type=f32)
            + b_ref[...])
        nsq = jnp.sum(t * t, axis=1, keepdims=True)
        norm = jnp.sqrt(nsq)
        scale = jnp.where(norm > 0.95, 0.95 / norm, jnp.ones_like(norm))
        mh = t * scale
        mh_ref[...] = mh
        ones = jnp.ones((1, mh.shape[1]), f32)
        mn_ref[...] = lax.dot_general(
            ones, mh * mh, (((1,), (1,)), ((), ())),
            precision=lax.Precision.HIGHEST, preferred_element_type=f32)

    t = jnp.tanh(
        lax.dot_general(q_ref[...], w_ref[...], (((1,), (1,)), ((), ())),
                        preferred_element_type=f32)
        + b_ref[...])
    qnsq = jnp.sum(t * t, axis=1, keepdims=True)
    qnorm = jnp.sqrt(qnsq)
    qscale = jnp.where(qnorm > 0.95, 0.95 / qnorm, jnp.ones_like(qnorm))
    qh = t * qscale
    qn = qnsq * qscale * qscale

    gram = lax.dot_general(qh, mh_ref[...], (((1,), (1,)), ((), ())),
                           precision=lax.Precision.HIGHEST,
                           preferred_element_type=f32)
    mn = mn_ref[...]
    diff_nsq = qn + mn - 2.0 * gram
    denom = (1.0 - qn) * (1.0 - mn)
    arg = 1.0 + 2.0 * diff_nsq / (denom + 1e-08)
    arg = jnp.maximum(arg, 1.0 + 1e-06)

    iota = lax.broadcasted_iota(jnp.int32, arg.shape, 1)
    vals, idxs = [], []
    a = arg
    for _ in range(_K):
        mval = jnp.min(a, axis=1, keepdims=True)
        cand = jnp.where(a == mval, iota, jnp.int32(m_rows))
        ix = jnp.min(cand, axis=1, keepdims=True)
        vals.append(mval)
        idxs.append(ix)
        a = jnp.where(iota == ix, jnp.float32(jnp.inf), a)
    v = jnp.concatenate(vals, axis=1)
    ii = jnp.concatenate(idxs, axis=1)

    dist = jnp.log(v + jnp.sqrt((v - 1.0) * (v + 1.0)))
    mmax = jnp.max(-dist, axis=1, keepdims=True)
    e = jnp.exp(-dist - mmax)
    wout_ref[...] = e / jnp.sum(e, axis=1, keepdims=True)
    iout_ref[...] = ii


def _topk_weights(q, mem, w, b_row, qblk):
    bq, d = q.shape
    m = mem.shape[0]
    return pl.pallas_call(
        _topk_body,
        grid=(bq // qblk,),
        in_specs=[
            pl.BlockSpec((qblk, d), lambda i: (i, 0)),
            pl.BlockSpec((m, d), lambda i: (0, 0)),
            pl.BlockSpec((d, d), lambda i: (0, 0)),
            pl.BlockSpec((1, d), lambda i: (0, 0)),
        ],
        out_specs=[
            pl.BlockSpec((qblk, _K), lambda i: (i, 0)),
            pl.BlockSpec((qblk, _K), lambda i: (i, 0)),
        ],
        out_shape=[
            jax.ShapeDtypeStruct((bq, _K), jnp.float32),
            jax.ShapeDtypeStruct((bq, _K), jnp.int32),
        ],
        scratch_shapes=[
            pltpu.VMEM((m, d), jnp.float32),
            pltpu.VMEM((1, m), jnp.float32),
        ],
    )(q, mem, w, b_row)


def _sc_gather(table, idx):
    rows_total, width = idx.shape[0], table.shape[1]
    info = plsc.get_sparse_core_info()
    ncores, nsub = info.num_cores, info.num_subcores
    nworkers = ncores * nsub
    bpw = rows_total // nworkers
    mesh = plsc.VectorSubcoreMesh(core_axis_name="c", subcore_axis_name="s")

    @functools.partial(
        pl.kernel, mesh=mesh,
        out_type=jax.ShapeDtypeStruct((rows_total, width), jnp.float32),
        scratch_types=[
            pltpu.VMEM((bpw,), jnp.int32),
            pltpu.VMEM((bpw, width), jnp.float32),
            pltpu.SemaphoreType.DMA,
        ],
    )
    def gather_kernel(table_hbm, idx_hbm, out_hbm, idx_v, rows_v, sem):
        wid = lax.axis_index("s") * ncores + lax.axis_index("c")
        base = wid * bpw
        pltpu.sync_copy(idx_hbm.at[pl.ds(base, bpw)], idx_v)
        pltpu.async_copy(table_hbm.at[idx_v], rows_v, sem).wait()
        pltpu.sync_copy(rows_v, out_hbm.at[pl.ds(base, bpw)])

    return gather_kernel(table, idx)


def kernel(query_embedding, memory_embeddings, memory_som_masks, W, b, k):
    bq = query_embedding.shape[0]
    mask_w = memory_som_masks.shape[1]
    weights, top_idx = _topk_weights(
        query_embedding, memory_embeddings, W, b.reshape(1, -1), qblk=128)
    pad_w = (-mask_w) % 128
    masks_padded = (jnp.pad(memory_som_masks, ((0, 0), (0, pad_w)))
                    if pad_w else memory_som_masks)
    rows = _sc_gather(masks_padded, top_idx.reshape(-1))
    return weights, rows[:, :mask_w].reshape(bq, _K, mask_w)

# --- scband reference (transcript-rebuilt; emitter-appended) ---
"""Pipeline reference for scband-hyperbolic-memory-72919954751570 (READ-ONLY COPY).

The authoritative reference and input builder live on the scoring server;
editing this copy changes nothing except your own understanding.
"""

import jax, jax.numpy as jnp
import numpy as np


def _to_poincare(x, W, b):
    x = jnp.tanh(x @ W.T + b)
    norm = jnp.linalg.norm(x, axis=-1, keepdims=True)
    scale = jnp.where(norm > 0.95, 0.95 / norm, jnp.ones_like(norm))
    return x * scale


def _hyperbolic_distance(x, y):
    diff = x[:, None, :] - y[None, :, :]
    diff_norm_sq = jnp.sum(diff ** 2, axis=-1)
    x_norm_sq = jnp.sum(x ** 2, axis=-1, keepdims=True)
    y_norm_sq = jnp.sum(y ** 2, axis=-1)[None, :]
    denom = (1.0 - x_norm_sq) * (1.0 - y_norm_sq)
    arg = 1.0 + 2.0 * diff_norm_sq / (denom + 1e-08)
    return jnp.arccosh(jnp.clip(arg, 1.0 + 1e-06, None))


def setup_inputs(seed: int = 0) -> dict:
    key = jax.random.key(seed)
    k1, k2, k3, k4 = jax.random.split(key, 4)
    B, M, d, mask_w = 512, 4096, 128, 200
    query_embedding = jax.random.normal(k1, (B, d), dtype=jnp.float32)
    memory_embeddings = jax.random.normal(k2, (M, d), dtype=jnp.float32)
    memory_som_masks = jax.random.uniform(k3, (M, mask_w), dtype=jnp.float32)
    W = jax.random.normal(k4, (d, d), dtype=jnp.float32) / jnp.sqrt(d)
    b = jnp.zeros((d,), dtype=jnp.float32)
    return {
        "query_embedding": query_embedding,
        "memory_embeddings": memory_embeddings,
        "memory_som_masks": memory_som_masks,
        "W": W,
        "b": b,
        "k": 8,
    }


def reference(query_embedding, memory_embeddings, memory_som_masks, W, b, k):
    query_hyp = _to_poincare(query_embedding, W, b)
    memory_hyp = _to_poincare(memory_embeddings, W, b)
    dists = _hyperbolic_distance(query_hyp, memory_hyp)
    k_static = 8
    neg_top_dists, top_indices = jax.lax.top_k(-dists, k_static)
    k_zero = (jnp.asarray(k) * 0).astype(dists.dtype)
    top_dists = -neg_top_dists + k_zero
    weights = jax.nn.softmax(-top_dists, axis=-1)
    som_hints = memory_som_masks[top_indices]
    return (weights, som_hints)

if __name__ == "__main__":
    import jax
    _d = setup_inputs()
    print(jax.jit(kernel)(*tuple(_d.values())))

</pallas_src>

<mosaic_0001>
#map = affine_map<(d0, d1) -> (0, 0)>
#map1 = affine_map<(d0, d1) -> (0)>
module attributes {stable_mosaic.version = 14 : i64} {
  func.func @gather_kernel(%arg0: i32, %arg1: i32, %arg2: memref<4096x256xf32, #tpu.memory_space<hbm>>, %arg3: memref<4096xi32, #tpu.memory_space<hbm>>, %arg4: memref<4096x256xf32, #tpu.memory_space<hbm>>, %arg5: memref<128xi32, #tpu.memory_space<vmem>>, %arg6: memref<128x256xf32, #tpu.memory_space<vmem>>, %arg7: memref<!tpu.dma_semaphore, #tpu.memory_space<semaphore_mem>>) attributes {dimension_semantics = [#tpu.dimension_semantics<core_parallel>, #tpu.dimension_semantics<subcore_parallel>], iteration_bounds = array<i64: 2, 16>, scalar_prefetch = 0 : i64, scratch_operands = 3 : i64, tpu.core_type = #tpu.core_type<sc_vector_subcore>, window_params = [{transform_indices = #map}, {transform_indices = #map1}, {transform_indices = #map}]} {
    %mul3A = arith.constant 2 : i32
    %mul3A_0 = arith.muli %arg1, %mul3A : i32
    %add3A = arith.addi %mul3A_0, %arg0 : i32
    %mul3A_1 = arith.constant 128 : i32
    %mul3A_2 = arith.muli %add3A, %mul3A_1 : i32
    "tpu.region"() ({
      %run_scoped3A = tpu.sem_alloc : memref<!tpu.dma_semaphore, #tpu.memory_space<semaphore_mem>>
      %dma_start3A_7 = tpu.memref_slice %arg3[%mul3A_2] : memref<4096xi32, #tpu.memory_space<hbm>> -> memref<128xi32, #tpu.memory_space<hbm>>
      %dma_start3A_8 = tpu.memref_slice %arg3[%mul3A_2] : memref<4096xi32, #tpu.memory_space<hbm>> -> memref<128xi32, #tpu.memory_space<hbm>>
      tpu.enqueue_dma source(%dma_start3A_8 : memref<128xi32, #tpu.memory_space<hbm>>) target(%arg5 : memref<128xi32, #tpu.memory_space<vmem>>) target_semaphore(%run_scoped3A : memref<!tpu.dma_semaphore, #tpu.memory_space<semaphore_mem>>)
      %dma_wait3A_9 = tpu.memref_slice %arg3[%mul3A_2] : memref<4096xi32, #tpu.memory_space<hbm>> -> memref<128xi32, #tpu.memory_space<hbm>>
      %dma_wait3A_10 = tpu.memref_slice %arg3[%mul3A_2] : memref<4096xi32, #tpu.memory_space<hbm>> -> memref<128xi32, #tpu.memory_space<hbm>>
      tpu.wait_dma2 semaphore(%run_scoped3A : memref<!tpu.dma_semaphore, #tpu.memory_space<semaphore_mem>>) src(%dma_wait3A_10 : memref<128xi32, #tpu.memory_space<hbm>>) dst(%arg5 : memref<128xi32, #tpu.memory_space<vmem>>)
      tpu.yield
    }) : () -> ()
    %dma_start3A = arith.constant 0 : i32
    %dma_start3A_3 = arith.constant 0 : i32
    %dma_start3A_4 = tpu.memref_slice %arg2[%dma_start3A, %dma_start3A_3] : memref<4096x256xf32, #tpu.memory_space<hbm>> -> memref<4096x256xf32, #tpu.memory_space<hbm>>
    tpu.enqueue_indirect_dma source(%dma_start3A_4 : memref<4096x256xf32, #tpu.memory_space<hbm>>) target(%arg6 : memref<128x256xf32, #tpu.memory_space<vmem>>) offsets(%arg5 : memref<128xi32, #tpu.memory_space<vmem>>) semaphore(%arg7 : memref<!tpu.dma_semaphore, #tpu.memory_space<semaphore_mem>>)
    %dma_wait3A = arith.constant 0 : i32
    %dma_wait3A_5 = arith.constant 0 : i32
    %dma_wait3A_6 = tpu.memref_slice %arg2[%dma_wait3A, %dma_wait3A_5] : memref<4096x256xf32, #tpu.memory_space<hbm>> -> memref<4096x256xf32, #tpu.memory_space<hbm>>
    tpu.wait_indirect_dma semaphore(%arg7 : memref<!tpu.dma_semaphore, #tpu.memory_space<semaphore_mem>>) src(%dma_wait3A_6 : memref<4096x256xf32, #tpu.memory_space<hbm>>) dst(%arg6 : memref<128x256xf32, #tpu.memory_space<vmem>>)
    "tpu.region"() ({
      %run_scoped3A = tpu.sem_alloc : memref<!tpu.dma_semaphore, #tpu.memory_space<semaphore_mem>>
      %dma_start3A_7 = arith.constant 0 : i32
      %dma_start3A_8 = tpu.memref_slice %arg4[%mul3A_2, %dma_start3A_7] : memref<4096x256xf32, #tpu.memory_space<hbm>> -> memref<128x256xf32, #tpu.memory_space<hbm>>
      %dma_start3A_9 = arith.constant 0 : i32
      %dma_start3A_10 = tpu.memref_slice %arg4[%mul3A_2, %dma_start3A_9] : memref<4096x256xf32, #tpu.memory_space<hbm>> -> memref<128x256xf32, #tpu.memory_space<hbm>>
      tpu.enqueue_dma source(%arg6 : memref<128x256xf32, #tpu.memory_space<vmem>>) target(%dma_start3A_10 : memref<128x256xf32, #tpu.memory_space<hbm>>) target_semaphore(%run_scoped3A : memref<!tpu.dma_semaphore, #tpu.memory_space<semaphore_mem>>)
      %dma_wait3A_11 = arith.constant 0 : i32
      %dma_wait3A_12 = tpu.memref_slice %arg4[%mul3A_2, %dma_wait3A_11] : memref<4096x256xf32, #tpu.memory_space<hbm>> -> memref<128x256xf32, #tpu.memory_space<hbm>>
      %dma_wait3A_13 = arith.constant 0 : i32
      %dma_wait3A_14 = tpu.memref_slice %arg4[%mul3A_2, %dma_wait3A_13] : memref<4096x256xf32, #tpu.memory_space<hbm>> -> memref<128x256xf32, #tpu.memory_space<hbm>>
      tpu.wait_dma2 semaphore(%run_scoped3A : memref<!tpu.dma_semaphore, #tpu.memory_space<semaphore_mem>>) src(%arg6 : memref<128x256xf32, #tpu.memory_space<vmem>>) dst(%dma_wait3A_14 : memref<128x256xf32, #tpu.memory_space<hbm>>)
      tpu.yield
    }) : () -> ()
    return
  }
}

module attributes {stable_mosaic.version = 14 : i64} {
  func.func @_topk_body(%arg0: i32, %arg1: memref<128x128xf32, #tpu.memory_space<vmem>>, %arg2: memref<4096x128xf32, #tpu.memory_space<vmem>>, %arg3: memref<128x128xf32, #tpu.memory_space<vmem>>, %arg4: memref<1x128xf32, #tpu.memory_space<vmem>>, %arg5: memref<128x8xf32, #tpu.memory_space<vmem>>, %arg6: memref<128x8xi32, #tpu.memory_space<vmem>>, %arg7: memref<4096x128xf32, #tpu.memory_space<vmem>>, %arg8: memref<1x4096xf32, #tpu.memory_space<vmem>>) attributes {dimension_semantics = [#tpu.dimension_semantics<arbitrary>], iteration_bounds = array<i64: 4>, scalar_prefetch = 0 : i64, scratch_operands = 2 : i64, tpu.core_type = #tpu.core_type<tc>, window_params = [{transform_indices = @transform_0, window_bounds = array<i64: 128, 128>}, {pipeline_mode = #tpu.pipeline_mode<synchronous>, transform_indices = @transform_1, window_bounds = array<i64: 4096, 128>}, {pipeline_mode = #tpu.pipeline_mode<synchronous>, transform_indices = @transform_2, window_bounds = array<i64: 128, 128>}, {pipeline_mode = #tpu.pipeline_mode<synchronous>, transform_indices = @transform_3, window_bounds = array<i64: 1, 128>}, {transform_indices = @transform_4, window_bounds = array<i64: 128, 8>}, {transform_indices = @transform_5, window_bounds = array<i64: 128, 8>}]} {
    %eq3A = arith.constant 0 : i32
    %eq3A_0 = arith.cmpi eq, %arg0, %eq3A : i32
    %convert_element_type3A = arith.extui %eq3A_0 : i1 to i32
    %cond3A = arith.constant 0 : i32
    %cond3A_1 = arith.cmpi ne, %convert_element_type3A, %cond3A : i32
    scf.if %cond3A_1 {
      %get3A_208 = arith.constant 0 : index
      %get3A_209 = arith.constant 0 : index
      %get3A_210 = vector.load %arg2[%get3A_208, %get3A_209] : memref<4096x128xf32, #tpu.memory_space<vmem>>, vector<4096x128xf32>
      %get3A_211 = arith.constant 0 : index
      %get3A_212 = arith.constant 0 : index
      %get3A_213 = vector.load %arg3[%get3A_211, %get3A_212] : memref<128x128xf32, #tpu.memory_space<vmem>>, vector<128x128xf32>
      %dot_general3A_214 = arith.constant dense<0.000000e+00> : vector<4096x128xf32>
      %dot_general3A_215 = tpu.matmul %get3A_210, %get3A_213, %dot_general3A_214 {dimension_numbers = #tpu.dot_dimension_numbers<[1], [1], [0], [0], [0, 0, 1, 0], [], []>, transpose_lhs_hint = false} : vector<4096x128xf32>, vector<128x128xf32>, vector<4096x128xf32> -> vector<4096x128xf32>
      %get3A_216 = arith.constant 0 : index
      %get3A_217 = arith.constant 0 : index
      %get3A_218 = vector.load %arg4[%get3A_216, %get3A_217] : memref<1x128xf32, #tpu.memory_space<vmem>>, vector<1x128xf32>
      %add3A_219 = vector.broadcast %get3A_218 : vector<1x128xf32> to vector<4096x128xf32>
      %add3A_220 = arith.addf %dot_general3A_215, %add3A_219 : vector<4096x128xf32>
      %tanh3A_221 = math.tanh %add3A_220 : vector<4096x128xf32>
      %mul3A_222 = arith.mulf %tanh3A_221, %tanh3A_221 : vector<4096x128xf32>
      %reduce_sum3A_223 = arith.constant dense<0.000000e+00> : vector<4096xf32>
      %reduce_sum3A_224 = vector.multi_reduction <add>, %mul3A_222, %reduce_sum3A_223 [1] : vector<4096x128xf32> to vector<4096xf32>
      %broadcast_in_dim3A_225 = vector.shape_cast %reduce_sum3A_224 : vector<4096xf32> to vector<4096x1xf32>
      %sqrt3A_226 = math.sqrt %broadcast_in_dim3A_225 : vector<4096x1xf32>
      %gt3A_227 = arith.constant 0.949999988 : f32
      %gt3A_228 = vector.broadcast %gt3A_227 : f32 to vector<4096x1xf32>
      %gt3A_229 = arith.cmpf ogt, %sqrt3A_226, %gt3A_228 : vector<4096x1xf32>
      %div3A_230 = arith.constant 0.949999988 : f32
      %div3A_231 = vector.broadcast %div3A_230 : f32 to vector<4096x1xf32>
      %div3A_232 = arith.divf %div3A_231, %sqrt3A_226 : vector<4096x1xf32>
      %broadcast_in_dim3A_233 = arith.constant 1.000000e+00 : f32
      %broadcast_in_dim3A_234 = vector.broadcast %broadcast_in_dim3A_233 : f32 to vector<4096x1xf32>
      %select_n3A_235 = arith.select %gt3A_229, %div3A_232, %broadcast_in_dim3A_234 : vector<4096x1xi1>, vector<4096x1xf32>
      %mul3A_236 = vector.broadcast %select_n3A_235 : vector<4096x1xf32> to vector<4096x128xf32>
      %mul3A_237 = arith.mulf %tanh3A_221, %mul3A_236 : vector<4096x128xf32>
      %swap3A_238 = arith.constant 0 : index
      %swap3A_239 = arith.constant 0 : index
      %swap3A_240 = vector.load %arg7[%swap3A_238, %swap3A_239] : memref<4096x128xf32, #tpu.memory_space<vmem>>, vector<4096x128xf32>
      tpu.vector_store %arg7[%swap3A_238, %swap3A_239], %mul3A_237 {strides = array<i32>} : memref<4096x128xf32, #tpu.memory_space<vmem>>, vector<4096x128xf32>,
      %broadcast_in_dim3A_241 = arith.constant 1.000000e+00 : f32
      %broadcast_in_dim3A_242 = vector.broadcast %broadcast_in_dim3A_241 : f32 to vector<1x128xf32>
      %mul3A_243 = arith.mulf %mul3A_237, %mul3A_237 : vector<4096x128xf32>
      %dot_general3A_244 = arith.constant dense<0.000000e+00> : vector<1x4096xf32>
      %dot_general3A_245 = tpu.matmul %broadcast_in_dim3A_242, %mul3A_243, %dot_general3A_244 {dimension_numbers = #tpu.dot_dimension_numbers<[1], [1], [0], [0], [0, 0, 1, 0], [], []>, precision = #tpu.contract_precision<fp32>, transpose_lhs_hint = false} : vector<1x128xf32>, vector<4096x128xf32>, vector<1x4096xf32> -> vector<1x4096xf32>
      %swap3A_246 = arith.constant 0 : index
      %swap3A_247 = arith.constant 0 : index
      %swap3A_248 = vector.load %arg8[%swap3A_246, %swap3A_247] : memref<1x4096xf32, #tpu.memory_space<vmem>>, vector<1x4096xf32>
      tpu.vector_store %arg8[%swap3A_246, %swap3A_247], %dot_general3A_245 {strides = array<i32>} : memref<1x4096xf32, #tpu.memory_space<vmem>>, vector<1x4096xf32>,
    } else {
    }
    %get3A = arith.constant 0 : index
    %get3A_2 = arith.constant 0 : index
    %get3A_3 = vector.load %arg1[%get3A, %get3A_2] : memref<128x128xf32, #tpu.memory_space<vmem>>, vector<128x128xf32>
    %get3A_4 = arith.constant 0 : index
    %get3A_5 = arith.constant 0 : index
    %get3A_6 = vector.load %arg3[%get3A_4, %get3A_5] : memref<128x128xf32, #tpu.memory_space<vmem>>, vector<128x128xf32>
    %dot_general3A = arith.constant dense<0.000000e+00> : vector<128x128xf32>
    %dot_general3A_7 = tpu.matmul %get3A_3, %get3A_6, %dot_general3A {dimension_numbers = #tpu.dot_dimension_numbers<[1], [1], [0], [0], [0, 0, 1, 0], [], []>, transpose_lhs_hint = false} : vector<128x128xf32>, vector<128x128xf32>, vector<128x128xf32> -> vector<128x128xf32>
    %get3A_8 = arith.constant 0 : index
    %get3A_9 = arith.constant 0 : index
    %get3A_10 = vector.load %arg4[%get3A_8, %get3A_9] : memref<1x128xf32, #tpu.memory_space<vmem>>, vector<1x128xf32>
    %add3A = vector.broadcast %get3A_10 : vector<1x128xf32> to vector<128x128xf32>
    %add3A_11 = arith.addf %dot_general3A_7, %add3A : vector<128x128xf32>
    %tanh3A = math.tanh %add3A_11 : vector<128x128xf32>
    %mul3A = arith.mulf %tanh3A, %tanh3A : vector<128x128xf32>
    %reduce_sum3A = arith.constant dense<0.000000e+00> : vector<128xf32>
    %reduce_sum3A_12 = vector.multi_reduction <add>, %mul3A, %reduce_sum3A [1] : vector<128x128xf32> to vector<128xf32>
    %broadcast_in_dim3A = vector.shape_cast %reduce_sum3A_12 : vector<128xf32> to vector<128x1xf32>
    %sqrt3A = math.sqrt %broadcast_in_dim3A : vector<128x1xf32>
    %gt3A = arith.constant 0.949999988 : f32
    %gt3A_13 = vector.broadcast %gt3A : f32 to vector<128x1xf32>
    %gt3A_14 = arith.cmpf ogt, %sqrt3A, %gt3A_13 : vector<128x1xf32>
    %div3A = arith.constant 0.949999988 : f32
    %div3A_15 = vector.broadcast %div3A : f32 to vector<128x1xf32>
    %div3A_16 = arith.divf %div3A_15, %sqrt3A : vector<128x1xf32>
    %broadcast_in_dim3A_17 = arith.constant 1.000000e+00 : f32
    %broadcast_in_dim3A_18 = vector.broadcast %broadcast_in_dim3A_17 : f32 to vector<128x1xf32>
    %select_n3A = arith.select %gt3A_14, %div3A_16, %broadcast_in_dim3A_18 : vector<128x1xi1>, vector<128x1xf32>
    %mul3A_19 = vector.broadcast %select_n3A : vector<128x1xf32> to vector<128x128xf32>
    %mul3A_20 = arith.mulf %tanh3A, %mul3A_19 : vector<128x128xf32>
    %mul3A_21 = arith.mulf %broadcast_in_dim3A, %select_n3A : vector<128x1xf32>
    %mul3A_22 = arith.mulf %mul3A_21, %select_n3A : vector<128x1xf32>
    %get3A_23 = arith.constant 0 : index
    %get3A_24 = arith.constant 0 : index
    %get3A_25 = vector.load %arg7[%get3A_23, %get3A_24] : memref<4096x128xf32, #tpu.memory_space<vmem>>, vector<4096x128xf32>
    %dot_general3A_26 = arith.constant dense<0.000000e+00> : vector<128x4096xf32>
    %dot_general3A_27 = tpu.matmul %mul3A_20, %get3A_25, %dot_general3A_26 {dimension_numbers = #tpu.dot_dimension_numbers<[1], [1], [0], [0], [0, 0, 1, 0], [], []>, precision = #tpu.contract_precision<fp32>, transpose_lhs_hint = false} : vector<128x128xf32>, vector<4096x128xf32>, vector<128x4096xf32> -> vector<128x4096xf32>
    %get3A_28 = arith.constant 0 : index
    %get3A_29 = arith.constant 0 : index
    %get3A_30 = vector.load %arg8[%get3A_28, %get3A_29] : memref<1x4096xf32, #tpu.memory_space<vmem>>, vector<1x4096xf32>
    %add3A_31 = vector.broadcast %mul3A_22 : vector<128x1xf32> to vector<128x4096xf32>
    %add3A_32 = vector.broadcast %get3A_30 : vector<1x4096xf32> to vector<128x4096xf32>
    %add3A_33 = arith.addf %add3A_31, %add3A_32 : vector<128x4096xf32>
    %mul3A_34 = arith.constant 2.000000e+00 : f32
    %mul3A_35 = vector.broadcast %mul3A_34 : f32 to vector<128x4096xf32>
    %mul3A_36 = arith.mulf %mul3A_35, %dot_general3A_27 : vector<128x4096xf32>
    %sub3A = arith.subf %add3A_33, %mul3A_36 : vector<128x4096xf32>
    %sub3A_37 = arith.constant 1.000000e+00 : f32
    %sub3A_38 = vector.broadcast %sub3A_37 : f32 to vector<128x1xf32>
    %sub3A_39 = arith.subf %sub3A_38, %mul3A_22 : vector<128x1xf32>
    %sub3A_40 = arith.constant 1.000000e+00 : f32
    %sub3A_41 = vector.broadcast %sub3A_40 : f32 to vector<1x4096xf32>
    %sub3A_42 = arith.subf %sub3A_41, %get3A_30 : vector<1x4096xf32>
    %mul3A_43 = vector.broadcast %sub3A_39 : vector<128x1xf32> to vector<128x4096xf32>
    %mul3A_44 = vector.broadcast %sub3A_42 : vector<1x4096xf32> to vector<128x4096xf32>
    %mul3A_45 = arith.mulf %mul3A_43, %mul3A_44 : vector<128x4096xf32>
    %mul3A_46 = arith.constant 2.000000e+00 : f32
    %mul3A_47 = vector.broadcast %mul3A_46 : f32 to vector<128x4096xf32>
    %mul3A_48 = arith.mulf %mul3A_47, %sub3A : vector<128x4096xf32>
    %add3A_49 = arith.constant 9.99999993E-9 : f32
    %add3A_50 = vector.broadcast %add3A_49 : f32 to vector<128x4096xf32>
    %add3A_51 = arith.addf %mul3A_45, %add3A_50 : vector<128x4096xf32>
    %div3A_52 = arith.divf %mul3A_48, %add3A_51 : vector<128x4096xf32>
    %add3A_53 = arith.constant 1.000000e+00 : f32
    %add3A_54 = vector.broadcast %add3A_53 : f32 to vector<128x4096xf32>
    %add3A_55 = arith.addf %add3A_54, %div3A_52 : vector<128x4096xf32>
    %max3A = arith.constant 1.00000095 : f32
    %max3A_56 = vector.broadcast %max3A : f32 to vector<128x4096xf32>
    %max3A_57 = arith.maximumf %add3A_55, %max3A_56 : vector<128x4096xf32>
    %iota3A = tpu.iota {dimensions = array<i32: 1>} : vector<128x4096xi32>
    %reduce_min3A = arith.constant dense<0x7F800000> : vector<128xf32>
    %reduce_min3A_58 = vector.multi_reduction <minimumf>, %max3A_57, %reduce_min3A [1] : vector<128x4096xf32> to vector<128xf32>
    %broadcast_in_dim3A_59 = vector.shape_cast %reduce_min3A_58 : vector<128xf32> to vector<128x1xf32>
    %eq3A_60 = vector.broadcast %broadcast_in_dim3A_59 : vector<128x1xf32> to vector<128x4096xf32>
    %eq3A_61 = arith.cmpf oeq, %max3A_57, %eq3A_60 : vector<128x4096xf32>
    %jit3A = arith.constant 4096 : i32
    %broadcast_in_dim3A_62 = vector.broadcast %jit3A : i32 to vector<128x4096xi32>
    %select_n3A_63 = arith.select %eq3A_61, %iota3A, %broadcast_in_dim3A_62 : vector<128x4096xi1>, vector<128x4096xi32>
    %reduce_min3A_64 = arith.constant dense<2147483647> : vector<128xi32>
    %reduce_min3A_65 = vector.multi_reduction <minsi>, %select_n3A_63, %reduce_min3A_64 [1] : vector<128x4096xi32> to vector<128xi32>
    %broadcast_in_dim3A_66 = vector.shape_cast %reduce_min3A_65 : vector<128xi32> to vector<128x1xi32>
    %eq3A_67 = vector.broadcast %broadcast_in_dim3A_66 : vector<128x1xi32> to vector<128x4096xi32>
    %eq3A_68 = arith.cmpi eq, %iota3A, %eq3A_67 : vector<128x4096xi32>
    %jit3A_69 = arith.constant 0x7F800000 : f32
    %broadcast_in_dim3A_70 = vector.broadcast %jit3A_69 : f32 to vector<128x4096xf32>
    %select_n3A_71 = arith.select %eq3A_68, %broadcast_in_dim3A_70, %max3A_57 : vector<128x4096xi1>, vector<128x4096xf32>
    %reduce_min3A_72 = arith.constant dense<0x7F800000> : vector<128xf32>
    %reduce_min3A_73 = vector.multi_reduction <minimumf>, %select_n3A_71, %reduce_min3A_72 [1] : vector<128x4096xf32> to vector<128xf32>
    %broadcast_in_dim3A_74 = vector.shape_cast %reduce_min3A_73 : vector<128xf32> to vector<128x1xf32>
    %eq3A_75 = vector.broadcast %broadcast_in_dim3A_74 : vector<128x1xf32> to vector<128x4096xf32>
    %eq3A_76 = arith.cmpf oeq, %select_n3A_71, %eq3A_75 : vector<128x4096xf32>
    %jit3A_77 = arith.constant 4096 : i32
    %broadcast_in_dim3A_78 = vector.broadcast %jit3A_77 : i32 to vector<128x4096xi32>
    %select_n3A_79 = arith.select %eq3A_76, %iota3A, %broadcast_in_dim3A_78 : vector<128x4096xi1>, vector<128x4096xi32>
    %reduce_min3A_80 = arith.constant dense<2147483647> : vector<128xi32>
    %reduce_min3A_81 = vector.multi_reduction <minsi>, %select_n3A_79, %reduce_min3A_80 [1] : vector<128x4096xi32> to vector<128xi32>
    %broadcast_in_dim3A_82 = vector.shape_cast %reduce_min3A_81 : vector<128xi32> to vector<128x1xi32>
    %eq3A_83 = vector.broadcast %broadcast_in_dim3A_82 : vector<128x1xi32> to vector<128x4096xi32>
    %eq3A_84 = arith.cmpi eq, %iota3A, %eq3A_83 : vector<128x4096xi32>
    %jit3A_85 = arith.constant 0x7F800000 : f32
    %broadcast_in_dim3A_86 = vector.broadcast %jit3A_85 : f32 to vector<128x4096xf32>
    %select_n3A_87 = arith.select %eq3A_84, %broadcast_in_dim3A_86, %select_n3A_71 : vector<128x4096xi1>, vector<128x4096xf32>
    %reduce_min3A_88 = arith.constant dense<0x7F800000> : vector<128xf32>
    %reduce_min3A_89 = vector.multi_reduction <minimumf>, %select_n3A_87, %reduce_min3A_88 [1] : vector<128x4096xf32> to vector<128xf32>
    %broadcast_in_dim3A_90 = vector.shape_cast %reduce_min3A_89 : vector<128xf32> to vector<128x1xf32>
    %eq3A_91 = vector.broadcast %broadcast_in_dim3A_90 : vector<128x1xf32> to vector<128x4096xf32>
    %eq3A_92 = arith.cmpf oeq, %select_n3A_87, %eq3A_91 : vector<128x4096xf32>
    %jit3A_93 = arith.constant 4096 : i32
    %broadcast_in_dim3A_94 = vector.broadcast %jit3A_93 : i32 to vector<128x4096xi32>
    %select_n3A_95 = arith.select %eq3A_92, %iota3A, %broadcast_in_dim3A_94 : vector<128x4096xi1>, vector<128x4096xi32>
    %reduce_min3A_96 = arith.constant dense<2147483647> : vector<128xi32>
    %reduce_min3A_97 = vector.multi_reduction <minsi>, %select_n3A_95, %reduce_min3A_96 [1] : vector<128x4096xi32> to vector<128xi32>
    %broadcast_in_dim3A_98 = vector.shape_cast %reduce_min3A_97 : vector<128xi32> to vector<128x1xi32>
    %eq3A_99 = vector.broadcast %broadcast_in_dim3A_98 : vector<128x1xi32> to vector<128x4096xi32>
    %eq3A_100 = arith.cmpi eq, %iota3A, %eq3A_99 : vector<128x4096xi32>
    %jit3A_101 = arith.constant 0x7F800000 : f32
    %broadcast_in_dim3A_102 = vector.broadcast %jit3A_101 : f32 to vector<128x4096xf32>
    %select_n3A_103 = arith.select %eq3A_100, %broadcast_in_dim3A_102, %select_n3A_87 : vector<128x4096xi1>, vector<128x4096xf32>
    %reduce_min3A_104 = arith.constant dense<0x7F800000> : vector<128xf32>
    %reduce_min3A_105 = vector.multi_reduction <minimumf>, %select_n3A_103, %reduce_min3A_104 [1] : vector<128x4096xf32> to vector<128xf32>
    %broadcast_in_dim3A_106 = vector.shape_cast %reduce_min3A_105 : vector<128xf32> to vector<128x1xf32>
    %eq3A_107 = vector.broadcast %broadcast_in_dim3A_106 : vector<128x1xf32> to vector<128x4096xf32>
    %eq3A_108 = arith.cmpf oeq, %select_n3A_103, %eq3A_107 : vector<128x4096xf32>
    %jit3A_109 = arith.constant 4096 : i32
    %broadcast_in_dim3A_110 = vector.broadcast %jit3A_109 : i32 to vector<128x4096xi32>
    %select_n3A_111 = arith.select %eq3A_108, %iota3A, %broadcast_in_dim3A_110 : vector<128x4096xi1>, vector<128x4096xi32>
    %reduce_min3A_112 = arith.constant dense<2147483647> : vector<128xi32>
    %reduce_min3A_113 = vector.multi_reduction <minsi>, %select_n3A_111, %reduce_min3A_112 [1] : vector<128x4096xi32> to vector<128xi32>
    %broadcast_in_dim3A_114 = vector.shape_cast %reduce_min3A_113 : vector<128xi32> to vector<128x1xi32>
    %eq3A_115 = vector.broadcast %broadcast_in_dim3A_114 : vector<128x1xi32> to vector<128x4096xi32>
    %eq3A_116 = arith.cmpi eq, %iota3A, %eq3A_115 : vector<128x4096xi32>
    %jit3A_117 = arith.constant 0x7F800000 : f32
    %broadcast_in_dim3A_118 = vector.broadcast %jit3A_117 : f32 to vector<128x4096xf32>
    %select_n3A_119 = arith.select %eq3A_116, %broadcast_in_dim3A_118, %select_n3A_103 : vector<128x4096xi1>, vector<128x4096xf32>
    %reduce_min3A_120 = arith.constant dense<0x7F800000> : vector<128xf32>
    %reduce_min3A_121 = vector.multi_reduction <minimumf>, %select_n3A_119, %reduce_min3A_120 [1] : vector<128x4096xf32> to vector<128xf32>
    %broadcast_in_dim3A_122 = vector.shape_cast %reduce_min3A_121 : vector<128xf32> to vector<128x1xf32>
    %eq3A_123 = vector.broadcast %broadcast_in_dim3A_122 : vector<128x1xf32> to vector<128x4096xf32>
    %eq3A_124 = arith.cmpf oeq, %select_n3A_119, %eq3A_123 : vector<128x4096xf32>
    %jit3A_125 = arith.constant 4096 : i32
    %broadcast_in_dim3A_126 = vector.broadcast %jit3A_125 : i32 to vector<128x4096xi32>
    %select_n3A_127 = arith.select %eq3A_124, %iota3A, %broadcast_in_dim3A_126 : vector<128x4096xi1>, vector<128x4096xi32>
    %reduce_min3A_128 = arith.constant dense<2147483647> : vector<128xi32>
    %reduce_min3A_129 = vector.multi_reduction <minsi>, %select_n3A_127, %reduce_min3A_128 [1] : vector<128x4096xi32> to vector<128xi32>
    %broadcast_in_dim3A_130 = vector.shape_cast %reduce_min3A_129 : vector<128xi32> to vector<128x1xi32>
    %eq3A_131 = vector.broadcast %broadcast_in_dim3A_130 : vector<128x1xi32> to vector<128x4096xi32>
    %eq3A_132 = arith.cmpi eq, %iota3A, %eq3A_131 : vector<128x4096xi32>
    %jit3A_133 = arith.constant 0x7F800000 : f32
    %broadcast_in_dim3A_134 = vector.broadcast %jit3A_133 : f32 to vector<128x4096xf32>
    %select_n3A_135 = arith.select %eq3A_132, %broadcast_in_dim3A_134, %select_n3A_119 : vector<128x4096xi1>, vector<128x4096xf32>
    %reduce_min3A_136 = arith.constant dense<0x7F800000> : vector<128xf32>
    %reduce_min3A_137 = vector.multi_reduction <minimumf>, %select_n3A_135, %reduce_min3A_136 [1] : vector<128x4096xf32> to vector<128xf32>
    %broadcast_in_dim3A_138 = vector.shape_cast %reduce_min3A_137 : vector<128xf32> to vector<128x1xf32>
    %eq3A_139 = vector.broadcast %broadcast_in_dim3A_138 : vector<128x1xf32> to vector<128x4096xf32>
    %eq3A_140 = arith.cmpf oeq, %select_n3A_135, %eq3A_139 : vector<128x4096xf32>
    %jit3A_141 = arith.constant 4096 : i32
    %broadcast_in_dim3A_142 = vector.broadcast %jit3A_141 : i32 to vector<128x4096xi32>
    %select_n3A_143 = arith.select %eq3A_140, %iota3A, %broadcast_in_dim3A_142 : vector<128x4096xi1>, vector<128x4096xi32>
    %reduce_min3A_144 = arith.constant dense<2147483647> : vector<128xi32>
    %reduce_min3A_145 = vector.multi_reduction <minsi>, %select_n3A_143, %reduce_min3A_144 [1] : vector<128x4096xi32> to vector<128xi32>
    %broadcast_in_dim3A_146 = vector.shape_cast %reduce_min3A_145 : vector<128xi32> to vector<128x1xi32>
    %eq3A_147 = vector.broadcast %broadcast_in_dim3A_146 : vector<128x1xi32> to vector<128x4096xi32>
    %eq3A_148 = arith.cmpi eq, %iota3A, %eq3A_147 : vector<128x4096xi32>
    %jit3A_149 = arith.constant 0x7F800000 : f32
    %broadcast_in_dim3A_150 = vector.broadcast %jit3A_149 : f32 to vector<128x4096xf32>
    %select_n3A_151 = arith.select %eq3A_148, %broadcast_in_dim3A_150, %select_n3A_135 : vector<128x4096xi1>, vector<128x4096xf32>
    %reduce_min3A_152 = arith.constant dense<0x7F800000> : vector<128xf32>
    %reduce_min3A_153 = vector.multi_reduction <minimumf>, %select_n3A_151, %reduce_min3A_152 [1] : vector<128x4096xf32> to vector<128xf32>
    %broadcast_in_dim3A_154 = vector.shape_cast %reduce_min3A_153 : vector<128xf32> to vector<128x1xf32>
    %eq3A_155 = vector.broadcast %broadcast_in_dim3A_154 : vector<128x1xf32> to vector<128x4096xf32>
    %eq3A_156 = arith.cmpf oeq, %select_n3A_151, %eq3A_155 : vector<128x4096xf32>
    %jit3A_157 = arith.constant 4096 : i32
    %broadcast_in_dim3A_158 = vector.broadcast %jit3A_157 : i32 to vector<128x4096xi32>
    %select_n3A_159 = arith.select %eq3A_156, %iota3A, %broadcast_in_dim3A_158 : vector<128x4096xi1>, vector<128x4096xi32>
    %reduce_min3A_160 = arith.constant dense<2147483647> : vector<128xi32>
    %reduce_min3A_161 = vector.multi_reduction <minsi>, %select_n3A_159, %reduce_min3A_160 [1] : vector<128x4096xi32> to vector<128xi32>
    %broadcast_in_dim3A_162 = vector.shape_cast %reduce_min3A_161 : vector<128xi32> to vector<128x1xi32>
    %eq3A_163 = vector.broadcast %broadcast_in_dim3A_162 : vector<128x1xi32> to vector<128x4096xi32>
    %eq3A_164 = arith.cmpi eq, %iota3A, %eq3A_163 : vector<128x4096xi32>
    %jit3A_165 = arith.constant 0x7F800000 : f32
    %broadcast_in_dim3A_166 = vector.broadcast %jit3A_165 : f32 to vector<128x4096xf32>
    %select_n3A_167 = arith.select %eq3A_164, %broadcast_in_dim3A_166, %select_n3A_151 : vector<128x4096xi1>, vector<128x4096xf32>
    %reduce_min3A_168 = arith.constant dense<0x7F800000> : vector<128xf32>
    %reduce_min3A_169 = vector.multi_reduction <minimumf>, %select_n3A_167, %reduce_min3A_168 [1] : vector<128x4096xf32> to vector<128xf32>
    %broadcast_in_dim3A_170 = vector.shape_cast %reduce_min3A_169 : vector<128xf32> to vector<128x1xf32>
    %eq3A_171 = vector.broadcast %broadcast_in_dim3A_170 : vector<128x1xf32> to vector<128x4096xf32>
    %eq3A_172 = arith.cmpf oeq, %select_n3A_167, %eq3A_171 : vector<128x4096xf32>
    %jit3A_173 = arith.constant 4096 : i32
    %broadcast_in_dim3A_174 = vector.broadcast %jit3A_173 : i32 to vector<128x4096xi32>
    %select_n3A_175 = arith.select %eq3A_172, %iota3A, %broadcast_in_dim3A_174 : vector<128x4096xi1>, vector<128x4096xi32>
    %reduce_min3A_176 = arith.constant dense<2147483647> : vector<128xi32>
    %reduce_min3A_177 = vector.multi_reduction <minsi>, %select_n3A_175, %reduce_min3A_176 [1] : vector<128x4096xi32> to vector<128xi32>
    %broadcast_in_dim3A_178 = vector.shape_cast %reduce_min3A_177 : vector<128xi32> to vector<128x1xi32>
    %concatenate3A = tpu.concatenate %broadcast_in_dim3A_59, %broadcast_in_dim3A_74, %broadcast_in_dim3A_90, %broadcast_in_dim3A_106, %broadcast_in_dim3A_122, %broadcast_in_dim3A_138, %broadcast_in_dim3A_154, %broadcast_in_dim3A_170 in 1 : vector<128x1xf32>, vector<128x1xf32>, vector<128x1xf32>, vector<128x1xf32>, vector<128x1xf32>, vector<128x1xf32>, vector<128x1xf32>, vector<128x1xf32> -> vector<128x8xf32>
    %concatenate3A_179 = tpu.concatenate %broadcast_in_dim3A_66, %broadcast_in_dim3A_82, %broadcast_in_dim3A_98, %broadcast_in_dim3A_114, %broadcast_in_dim3A_130, %broadcast_in_dim3A_146, %broadcast_in_dim3A_162, %broadcast_in_dim3A_178 in 1 : vector<128x1xi32>, vector<128x1xi32>, vector<128x1xi32>, vector<128x1xi32>, vector<128x1xi32>, vector<128x1xi32>, vector<128x1xi32>, vector<128x1xi32> -> vector<128x8xi32>
    %sub3A_180 = arith.constant 1.000000e+00 : f32
    %sub3A_181 = vector.broadcast %sub3A_180 : f32 to vector<128x8xf32>
    %sub3A_182 = arith.subf %concatenate3A, %sub3A_181 : vector<128x8xf32>
    %add3A_183 = arith.constant 1.000000e+00 : f32
    %add3A_184 = vector.broadcast %add3A_183 : f32 to vector<128x8xf32>
    %add3A_185 = arith.addf %concatenate3A, %add3A_184 : vector<128x8xf32>
    %mul3A_186 = arith.mulf %sub3A_182, %add3A_185 : vector<128x8xf32>
    %sqrt3A_187 = math.sqrt %mul3A_186 : vector<128x8xf32>
    %add3A_188 = arith.addf %concatenate3A, %sqrt3A_187 : vector<128x8xf32>
    %log3A = math.log %add3A_188 : vector<128x8xf32>
    %neg3A = arith.constant 0.000000e+00 : f32
    %neg3A_189 = vector.broadcast %neg3A : f32 to vector<128x8xf32>
    %neg3A_190 = arith.subf %neg3A_189, %log3A : vector<128x8xf32>
    %reduce_max3A = arith.constant dense<0xFF800000> : vector<128xf32>
    %reduce_max3A_191 = vector.multi_reduction <maximumf>, %neg3A_190, %reduce_max3A [1] : vector<128x8xf32> to vector<128xf32>
    %broadcast_in_dim3A_192 = vector.shape_cast %reduce_max3A_191 : vector<128xf32> to vector<128x1xf32>
    %neg3A_193 = arith.constant 0.000000e+00 : f32
    %neg3A_194 = vector.broadcast %neg3A_193 : f32 to vector<128x8xf32>
    %neg3A_195 = arith.subf %neg3A_194, %log3A : vector<128x8xf32>
    %sub3A_196 = vector.broadcast %broadcast_in_dim3A_192 : vector<128x1xf32> to vector<128x8xf32>
    %sub3A_197 = arith.subf %neg3A_195, %sub3A_196 : vector<128x8xf32>
    %exp3A = math.exp %sub3A_197 : vector<128x8xf32>
    %reduce_sum3A_198 = arith.constant dense<0.000000e+00> : vector<128xf32>
    %reduce_sum3A_199 = vector.multi_reduction <add>, %exp3A, %reduce_sum3A_198 [1] : vector<128x8xf32> to vector<128xf32>
    %broadcast_in_dim3A_200 = vector.shape_cast %reduce_sum3A_199 : vector<128xf32> to vector<128x1xf32>
    %div3A_201 = vector.broadcast %broadcast_in_dim3A_200 : vector<128x1xf32> to vector<128x8xf32>
    %div3A_202 = arith.divf %exp3A, %div3A_201 : vector<128x8xf32>
    %swap3A = arith.constant 0 : index
    %swap3A_203 = arith.constant 0 : index
    %swap3A_204 = vector.load %arg5[%swap3A, %swap3A_203] : memref<128x8xf32, #tpu.memory_space<vmem>>, vector<128x8xf32>
    tpu.vector_store %arg5[%swap3A, %swap3A_203], %div3A_202 {strides = array<i32>} : memref<128x8xf32, #tpu.memory_space<vmem>>, vector<128x8xf32>,
    %swap3A_205 = arith.constant 0 : index
    %swap3A_206 = arith.constant 0 : index
    %swap3A_207 = vector.load %arg6[%swap3A_205, %swap3A_206] : memref<128x8xi32, #tpu.memory_space<vmem>>, vector<128x8xi32>
    tpu.vector_store %arg6[%swap3A_205, %swap3A_206], %concatenate3A_179 {strides = array<i32>} : memref<128x8xi32, #tpu.memory_space<vmem>>, vector<128x8xi32>,
    return
  }
  func.func @transform_0(%arg0: i32) -> (i32, i32) {
    %c0_i32 = arith.constant 0 : i32
    %c0_i32_0 = arith.constant 0 : i32
    return %arg0, %c0_i32 : i32, i32
  }
  func.func @transform_1(%arg0: i32) -> (i32, i32) {
    %c0_i32 = arith.constant 0 : i32
    %c0_i32_0 = arith.constant 0 : i32
    %c0_i32_1 = arith.constant 0 : i32
    return %c0_i32, %c0_i32_0 : i32, i32
  }
  func.func @transform_2(%arg0: i32) -> (i32, i32) {
    %c0_i32 = arith.constant 0 : i32
    %c0_i32_0 = arith.constant 0 : i32
    %c0_i32_1 = arith.constant 0 : i32
    return %c0_i32, %c0_i32_0 : i32, i32
  }
  func.func @transform_3(%arg0: i32) -> (i32, i32) {
    %c0_i32 = arith.constant 0 : i32
    %c0_i32_0 = arith.constant 0 : i32
    %c0_i32_1 = arith.constant 0 : i32
    return %c0_i32, %c0_i32_0 : i32, i32
  }
  func.func @transform_4(%arg0: i32) -> (i32, i32) {
    %c0_i32 = arith.constant 0 : i32
    %c0_i32_0 = arith.constant 0 : i32
    return %arg0, %c0_i32 : i32, i32
  }
  func.func @transform_5(%arg0: i32) -> (i32, i32) {
    %c0_i32 = arith.constant 0 : i32
    %c0_i32_0 = arith.constant 0 : i32
    return %arg0, %c0_i32 : i32, i32
  }
}

</mosaic_0001>

<sc_bundles>
// kernel: kernel.4.cloned.1.call-start
scs
__scs_entry_jumppad:
0x0: {  	(pc) =	sbr.rel $0x88, $3  }
0x1: {  	(tag) =	ssettag $0x0;
	lr =	simm.s32 $0x1  }
0x2: {  	[smem:$0x3F9C] =	sst lr;
	_ =	strace $0xD0000000  }
0x3: {  	_ = 	snop  }
0x4: {  	_ = 	snop  }
0x5: {  	_ = 	snop  }
0x6: {  	_ = 	snop  }
0x7: {  	_ = 	snop  }
__scs_overlays_trampoline_lowered:
0x8: {  	[smem:$0x3FAB] =	sst s0  }
0x9: {  	[smem:$0x3FAC] =	sst s1  }
0xa: {  	[smem:$0x3FAD] =	sst s2  }
0xb: {  	[smem:$0x3FAE] =	sst s3  }
0xc: {  	[smem:$0x3FAF] =	sst s4  }
0xd: {  	[smem:$0x3FB0] =	sst s5  }
0xe: {  	[smem:$0x3FB1] =	sst s6  }
0xf: {  	[smem:$0x3FB2] =	sst s7  }
0x10: {  	[smem:$0x3FB3] =	sst s8  }
0x11: {  	[smem:$0x3FB4] =	sst s9;
	s0 =	simm.s32 @!p0 $0x0  }
0x12: {  	s1 =	sld [smem:$0x3F9A];
	s0 =	simm.s32 @p0 $0x1  }
0x13: {  	[smem:$0x3FB5] =	sst s0;
	s0 =	simm.s32 @!p1 $0x0  }
0x14: {  	s2 =	sld [smem:$0x3F99];
	s0 =	simm.s32 @p1 $0x1  }
0x15: {  	[smem:$0x3FB6] =	sst s0;
	s0 =	simm.s32 @!p2 $0x0  }
0x16: {  	s3 =	sld [smem:$0x3FDB];
	s0 =	simm.s32 @p2 $0x1  }
0x17: {  	s4 =	simm.s32 $0x1BF5;
	[smem:$0x3FB8] =	sst s0  }
0x18: {  	s0 =	sld [smem:$0x3F9B];
	_ =	swait.ge [sflag:s4], $0x0  }
0x19: {  	s7 =	sld [smem:$0x3F9C]  }
0x1a: {  	s8 =	sadd.s32 $0xFFFFE003, lr  }
0x1b: {  	s9 =	sadd.s32 $0xFFFFFEF7, lr;
	s5 =	simm.s32 $0xFFFFFFFF;
	p2 =	slt.u32 s8, $0xFFFFF086  }
0x1c: {  	p1 =	slt.u32 s9, $0xF7A;
	s5 =	simm.s32 @!p2 $0x0  }
0x1d: {  	s5 =	simm.s32 @p1 $0x1;
	p0 =	seq.s32 s7, s2  }
0x1e: {  	s7 =	smul.u32 @!p0 $0xF7A, s2;
	p2 =	seq.s32 @!p0 s5, $0x0  }
0x1f: {  	s9 =	smul.u32 $0xF7A, s1;
	s8 =	simm.s32 @!p0 $0x1BF5;
	p2 =	por !p2, p0  }
0x20: {  	[sflag:s8] =	ssyncset.s32 @!p0 $0xFFFFF086;
	s6 =	sadd.s32 @!p0 s3, s7;
	s7 =	simm.s32 @!p0 $0x108  }
0x21: {  	s3 =	sadd.s32 s3, s9;
	s6 =	sadd.s32 @!p0 $0x88, s6;
	s7 =	simm.s32 @p2 $0x1082  }
0x22: {  	[simem:s7], [sflag:s8] =	dma.local @!p0 [hbm:s6], $0xF7A  }
0x23: {  	s9 =	sor.u32 $0xD0000000, s2;
	s6 =	simm.s32 $0x108;
	_ =	swait.ge @!p0 [sflag:s8], $0x0  }
0x24: {  	s3 =	sadd.s32 $0x88, s3;
	s6 =	simm.s32 @!p1 $0x1082;
	[sflag:s4] =	ssyncset.s32 $0xFFFFF086  }
0x25: {  	[simem:s6], [sflag:s4] =	dma.local [hbm:s3], $0xF7A  }
0x26: {  	[smem:$0x3F9C] =	sst s1;
	(tag) =	ssettag s2;
	_ =	strace s9  }
0x27: {  	s1 =	sld [smem:$0x3FAC]  }
0x28: {  	s2 =	sld [smem:$0x3FAD]  }
0x29: {  	s4 =	sld [smem:$0x3FAF]  }
0x2a: {  	p0 =	seq.s32 s5, $0x0;
	s5 =	sld [smem:$0x3FB0]  }
0x2b: {  	s6 =	sld [smem:$0x3FB1]  }
0x2c: {  	s7 =	sld [smem:$0x3FB2]  }
0x2d: {  	s3 =	simm.s32 $0x108;
	s8 =	sld [smem:$0x3FB3]  }
0x2e: {  	s3 =	simm.s32 @!p0 $0x1082;
	s9 =	sld [smem:$0x3FB4]  }
0x2f: {  	lr =	sadd.s32 s0, s3;
	s0 =	sld [smem:$0x3FAB]  }
0x30: {  	s3 =	sld [smem:$0x3FAE]  }
0x31: {  	[smem:$0x3FB7] =	sst s10  }
0x32: {  	s10 =	sld [smem:$0x3FB5];
	_ =	sdelay $0x3  }
0x33: {  	p0 =	seq.s32 s10, $0x1;
	s10 =	sld [smem:$0x3FB7];
	_ =	sdelay $0x3  }
0x34: {  	[smem:$0x3FB7] =	sst s10  }
0x35: {  	s10 =	sld [smem:$0x3FB6];
	_ =	sdelay $0x3  }
0x36: {  	p1 =	seq.s32 s10, $0x1;
	s10 =	sld [smem:$0x3FB7];
	_ =	sdelay $0x3  }
0x37: {  	[smem:$0x3FB7] =	sst s10  }
0x38: {  	s10 =	sld [smem:$0x3FB8]  }
0x39: {  	_ = 	snop;
	(pc) =	sbr.ind lr, $3  }
0x3a: {  	_ = 	snop  }
0x3b: {  	_ = 	snop  }
0x3c: {  	p2 =	seq.s32 s10, $0x1;
	s10 =	sld [smem:$0x3FB7]  }
0x3d: {  	_ =	shalt  }
0x3e: {  	_ =	shalt  }
0x3f: {  	_ =	shalt  }
0x40: {  	_ =	shalt  }
0x41: {  	_ =	shalt  }
0x42: {  	_ =	shalt  }
0x43: {  	_ =	shalt  }
0x44: {  	_ =	shalt  }
0x45: {  	_ =	shalt  }
0x46: {  	_ =	shalt  }
0x47: {  	_ =	shalt  }
0x48: {  	_ =	shalt  }
0x49: {  	_ =	shalt  }
0x4a: {  	_ =	shalt  }
0x4b: {  	_ =	shalt  }
0x4c: {  	_ =	shalt  }
0x4d: {  	_ =	shalt  }
0x4e: {  	_ =	shalt  }
0x4f: {  	_ =	shalt  }
0x50: {  	_ =	shalt  }
0x51: {  	_ =	shalt  }
0x52: {  	_ =	shalt  }
0x53: {  	_ =	shalt  }
0x54: {  	_ =	shalt  }
0x55: {  	_ =	shalt  }
0x56: {  	_ =	shalt  }
0x57: {  	_ =	shalt  }
0x58: {  	_ =	shalt  }
0x59: {  	_ =	shalt  }
0x5a: {  	_ =	shalt  }
0x5b: {  	_ =	shalt  }
0x5c: {  	_ =	shalt  }
0x5d: {  	_ =	shalt  }
0x5e: {  	_ =	shalt  }
0x5f: {  	_ =	shalt  }
0x60: {  	_ =	shalt  }
0x61: {  	_ =	shalt  }
0x62: {  	_ =	shalt  }
0x63: {  	_ =	shalt  }
0x64: {  	_ =	shalt  }
0x65: {  	_ =	shalt  }
0x66: {  	_ =	shalt  }
0x67: {  	_ =	shalt  }
0x68: {  	_ =	shalt  }
0x69: {  	_ =	shalt  }
0x6a: {  	_ =	shalt  }
0x6b: {  	_ =	shalt  }
0x6c: {  	_ =	shalt  }
0x6d: {  	_ =	shalt  }
0x6e: {  	_ =	shalt  }
0x6f: {  	_ =	shalt  }
0x70: {  	_ =	shalt  }
0x71: {  	_ =	shalt  }
0x72: {  	_ =	shalt  }
0x73: {  	_ =	shalt  }
0x74: {  	_ =	shalt  }
0x75: {  	_ =	shalt  }
0x76: {  	_ =	shalt  }
0x77: {  	_ =	shalt  }
0x78: {  	_ =	shalt  }
0x79: {  	_ =	shalt  }
0x7a: {  	_ =	shalt  }
0x7b: {  	_ =	shalt  }
0x7c: {  	_ =	shalt  }
0x7d: {  	_ =	shalt  }
0x7e: {  	_ =	shalt  }
0x7f: {  	_ =	shalt  }
0x80: {  	_ =	shalt  }
0x81: {  	_ =	shalt  }
0x82: {  	_ =	shalt  }
0x83: {  	_ =	shalt  }
0x84: {  	_ =	shalt  }
0x85: {  	_ =	shalt  }
0x86: {  	_ =	shalt  }
0x87: {  	_ =	shalt  }
.Lfunc_end0:
.L_simem_size_0:
called_computation_lowered:
.L_overlay_start_0:
0x88: {  	s2 =	sld [smem:$0x3FD9]  }
0x89: {  	s3 =	sld [smem:$0x3FFE];
	_ =	sdelay $0x1  }
0x8a: {  	s1 =	srdreg.scid  }
0x8b: {  	s0 =	sand.u32 $0x1, s1  }
0x8c: {  	s14 =	sshll.u32 s0, $0xA;
	s2 =	sadd.s32 s3, s2  }
0x8d: {  	s2 =	sadd.s32 s2, s14  }
0x8e: {  	[smem:$0x3FC3] =	sst s2  }
0x8f: {  	_ = 	snop  }
0x90: {  	s2 =	sld [smem:$0x3FD0];
	_ =	sdelay $0x2  }
0x91: {  	s15 =	simm.s32 $0xA;
	s4 =	simm.s32 $0x10  }
0x92: {  	[smem:s4], [sflag:s15] =	dma.local [hbm:s2], $0x1  }
0x93: {  	_ =	swait.eq [sflag:s15], $0x1  }
0x94: {  	[sflag:s15] =	ssyncset.done $0x0  }
0x95: {  	[sflag:s15] =	ssyncadd.s32 $0xFFFFFFFF  }
0x96: {  	s16 =	sld [smem:$0x11];
	(tm) =	ssettm $0x1  }
0x97: {  	s17 =	sld [smem:$0x3FFB];
	_ =	sdelay $0x3  }
0x98: {  	_ =	strace s17  }
0x99: {  	s3 =	sld [smem:$0x3FFC];
	_ =	sdelay $0x3  }
0x9a: {  	_ =	strace s3  }
0x9b: {  	s3 =	sld [smem:$0x3FFD];
	_ =	sdelay $0x3  }
0x9c: {  	_ =	strace s3  }
0x9d: {  	_ =	strace $0x8FFFFFFF  }
0x9e: {  	s18 =	sld [smem:$0x3FDB];
	_ =	sdelay $0x1  }
0x9f: {  	s19 =	simm.s32 $_scs_section_size  }
0xa0: {  	s5 =	simm.s32 $_size__tile_overlayer_lowered;
	s6 =	simm.s32 $_tile_overlayer_lowered  }
0xa1: {  	s22 =	simm.s32 $0x1BFF;
	s21 =	sshll.u32 s6, $0x1;
	s3 =	sadd.s32 s19, s18  }
0xa2: {  	s7 =	simm.s32 $0x0;
	s20 =	sshll.u32 s5, $0x1;
	s5 =	sadd.s32 s21, s3  }
0xa3: {  	[timem:s7], [sflag:s22] =	dma.local [hbm:s5], s20  }
0xa4: {  	_ =	swait.ge [sflag:s22], s20  }
0xa5: {  	s4 =	ssub.s32 $0x0, s20;
	[sflag:s22] =	ssyncset.done $0x0  }
0xa6: {  	[sflag:s22] =	ssyncadd.s32 s4;
	_ =	sdelay $0x1  }
0xa7: {  	s23 =	simm.s32 $0x1B8B  }
0xa8: {  	_ =	swait.ge [sflag:s23], $0x1  }
0xa9: {  	[sflag:s23] =	ssyncset.done $0x0  }
0xaa: {  	s25 =	simm.s32 $0x1B8E;
	s24 =	sld [smem:$0x3FFE];
	[sflag:s23] =	ssyncadd.s32 $0xFFFFFFFF  }
0xab: {  	s26 =	simm.s32 $execute0_lowered;
	[smem:$0x3FD2] =	sst s25  }
0xac: {  	s5 =	sshll.u32 s26, $0x1;
	_ =	strace $0x80000046;
	[dreg:$0x1] =	wrdreg $0xFFFFFFFF  }
0xad: {  	s28 =	simm.s32 $_size_execute0_lowered;
	s3 =	sadd.s32 s3, s5;
	[dreg:$0x0] =	wrdreg $0x0  }
0xae: {  	s5 =	sshll.u32 s28, $0x1;
	[dreg:$0x2] =	wrdreg s3  }
0xaf: {  	[dreg:$0x3] =	wrdreg s5  }
0xb0: {  	[dreg:$0x4] =	wrdreg $0xC0  }
0xb1: {  	_ =	task [dreg:s7], $0x5FFFF  }
0xb2: {  	[dreg:$0x1] =	wrdreg $0xFFFFFFFF  }
0xb3: {  	[dreg:$0x0] =	wrdreg $0x60  }
0xb4: {  	[dreg:$0x2] =	wrdreg s24  }
0xb5: {  	[dreg:$0x3] =	wrdreg s16  }
0xb6: {  	[dreg:$0x4] =	wrdreg $0x9  }
0xb7: {  	_ =	task.clear_ibuf [dreg:s7], $0x5FFFF;
	_ =	strace $0x90000046  }
0xb8: {  	s29 =	simm.s32 $0x9;
	_ =	strace $0x80000048  }
0xb9: {  	_ =	swait.ge [sflag:s29], $0x1  }
0xba: {  	[sflag:s29] =	ssyncadd.s32 $0xFFFFFFFF  }
0xbb: {  	_ =	strace $0x90000048  }
0xbc: {  	_ =	sfence  }
0xbd: {  	s30 =	sld [smem:$0x0];
	_ =	sdelay $0x2  }
0xbe: {  	s31 =	sshll.u32 s1, $0xD;
	s1 =	sshrl.u32 s1, $0x2  }
0xbf: {  	s3 =	sand.u32 $0x4000, s31;
	s1 =	sadd.s32 s1, s30  }
0xc0: {  	s0 =	sor.u32 s3, s0;
	s1 =	sshll.u32 s1, $0x11  }
0xc1: {  	s0 =	sor.u32 s1, s0  }
0xc2: {  	s0 =	sadd.s32 $0x8F2B, s0  }
0xc3: {  	[sflag:s0] =	ssyncadd.remote.s32 $0x1  }
0xc4: {  	_ =	sfence.sel $0xFFFF  }
0xc5: {  	[dreg:$0x0] =	wrdreg $0xFFFFFFFF;
	(pc) =	sbr.abs _section_cstart, $3  }
0xc6: {  	[dreg:$0x1] =	wrdreg $0xFFFFFFFF  }
0xc7: {  	_ =	task.clear_ibuf [dreg:s7], $0x2FFFF;
	_ =	strace $0x9FFFFFFF  }
0xc8: {  	(tm) =	ssettm $0x7FFFFFFF  }
0xc9: {  	_ =	shalt  }
tec
execute0_lowered:
.L_overlay_start_1:
0x0: {  	(tag) =	ssettag $0x1  }
0x1: {  	s4 =	rddreg [dreg:$0x0]  }
0x2: {  	s5 =	rddreg [dreg:$0x1]  }
0x3: {  	s0 =	rddreg [dreg:$0x2];
	s3 =	srdreg.scid  }
0x4: {  	s2 =	simm.s32 $0x0;
	s1 =	stileid.u32;
	s10 =	simm.s32 $0x1080  }
0x5: {  	s11 =	simm.s32 $0x1880;
	s12 =	simm.s32 $0x2080;
	s13 =	simm.s32 $0x2880  }
0x6: {  	s14 =	simm.s32 $0x3080;
	s15 =	simm.s32 $0x3880;
	s16 =	simm.s32 $0x4080  }
0x7: {  	s17 =	simm.s32 $0x4880;
	s18 =	simm.s32 $0x5080;
	s19 =	simm.s32 $0x5880  }
0x8: {  	s20 =	simm.s32 $0x6080;
	s21 =	simm.s32 $0x6880;
	s22 =	simm.s32 $0x7080  }
0x9: {  	s23 =	simm.s32 $0x7880;
	s24 =	simm.s32 $0x1;
	s3 =	sand.u32 $0x1, s3  }
0xa: {  	[smem:$0x7FF] =	sst s2;
	s6 =	sshll.u32 s1, $0x8;
	s7 =	sshll.u32 s3, $0x7  }
0xb: {  	_ =	strace $0x80000047;
	s30 =	ssub.s32 $0x2, s3;
	s6 =	sor.u32 s7, s6  }
0xc: {  	s3 =	sadd.s32 $0xE00, s4;
	s9 =	sshrl.u32 s30, $0x1;
	s8 =	sshll.u32 s6, $0x5  }
0xd: {  	v2 =	vlaneseq.u32;
	s7 =	ssub.s32 s30, s9;
	s31 =	sshrl.u32 s6, $0x3;
	s9 =	simm.s32 $0x880  }
0xe: {  	vm0 =	vmmov $0xffff;
	v1 =	vshrl.u32 v2, $0x3;
	s8 =	sadd.s32 s8, s4;
	s4 =	sadd.s32 s5, s31;
	s6 =	smax.u32 s7, $0x1  }
0xf: {  	v0 =	vand.u32 $0x7, v2;
	v2 =	vor.u32 $0x8, v2;
	v1 =	vmul.u32 $0x8, v1;
	s7 =	simm.s32 $0x2;
	s5 =	sadd.s32 $0x20E00, s8;
	s8 =	simm.s32 $0x80  }
.LBB2_1:
0x10: {  	[tilespmem:s2], [sflag:$0x2] =	stream.linear.gather [hbm4b:s4+s2], $0x80, $0x38;
	[tilespmem:$0x8080] =	vst v63  }
0x11: {  	_ =	swait.ge [sflag:s7], $0x80  }
0x12: {  	[sflag:s7] =	ssyncset.done $0x0  }
0x13: {  	[sflag:s7] =	ssyncadd.s32 $0xFFFFFF80  }
0x14: {  	v3 =	vld [tilespmem:$0x0];
	_ =	sdelay $0x4  }
0x15: {  	v4 =	vshll.u32 v3, $0x1  }
0x16: {  	v3 =	vand.u32 $0x7, v3;
	v4 =	vand.u32 $0xFFFFFFF0, v4  }
0x17: {  	v3 =	vor.u32 v3, v4  }
0x18: {  	v4 =	vperm.xlane v3, v0;
	_ =	sdelay $0x1  }
0x19: {  	v3 =	vperm.xlane v3, v2;
	v4 =	vadd.s32 v1, v4;
	_ =	sdelay $0x1  }
0x1a: {  	v3 =	vadd.s32 v1, v3;
	_ =	sdelay $0x2  }
0x1b: {  	[tilespmem:s8], [sflag:$0x1] =	stream.indirect_vreg.gather [hbm4b:s3+s2], $0x80, v4, vm0, $0xb8;
	[tilespmem:$0x8080] =	vst v63  }
0x1c: {  	_ = 	snop  }
0x1d: {  	[tilespmem:s9], [sflag:$0x1] =	stream.indirect_vreg.gather [hbm4b:s3+s2], $0x80, v3, vm0, $0xb8;
	[tilespmem:$0x8080] =	vst v63  }
0x1e: {  	v3 =	vld [tilespmem:$0x10];
	_ =	sdelay $0x4  }
0x1f: {  	v57 =	vshll.u32 v3, $0x1  }
0x20: {  	v3 =	vand.u32 $0x7, v3;
	v4 =	vand.u32 $0xFFFFFFF0, v57  }
0x21: {  	v3 =	vor.u32 v3, v4  }
0x22: {  	v4 =	vperm.xlane v3, v0;
	_ =	sdelay $0x1  }
0x23: {  	v3 =	vperm.xlane v3, v2;
	v4 =	vadd.s32 v1, v4;
	_ =	sdelay $0x1  }
0x24: {  	v3 =	vadd.s32 v1, v3;
	_ =	sdelay $0x2  }
0x25: {  	[tilespmem:s10], [sflag:$0x1] =	stream.indirect_vreg.gather [hbm4b:s3+s2], $0x80, v4, vm0, $0xb8;
	[tilespmem:$0x8080] =	vst v63  }
0x26: {  	_ = 	snop  }
0x27: {  	[tilespmem:s11], [sflag:$0x1] =	stream.indirect_vreg.gather [hbm4b:s3+s2], $0x80, v3, vm0, $0xb8;
	[tilespmem:$0x8080] =	vst v63  }
0x28: {  	v3 =	vld [tilespmem:$0x20];
	_ =	sdelay $0x4  }
0x29: {  	v58 =	vshll.u32 v3, $0x1  }
0x2a: {  	v3 =	vand.u32 $0x7, v3;
	v4 =	vand.u32 $0xFFFFFFF0, v58  }
0x2b: {  	v3 =	vor.u32 v3, v4  }
0x2c: {  	v4 =	vperm.xlane v3, v0;
	_ =	sdelay $0x1  }
0x2d: {  	v3 =	vperm.xlane v3, v2;
	v4 =	vadd.s32 v1, v4;
	_ =	sdelay $0x1  }
0x2e: {  	v3 =	vadd.s32 v1, v3;
	_ =	sdelay $0x2  }
0x2f: {  	[tilespmem:s12], [sflag:$0x1] =	stream.indirect_vreg.gather [hbm4b:s3+s2], $0x80, v4, vm0, $0xb8;
	[tilespmem:$0x8080] =	vst v63  }
0x30: {  	_ = 	snop  }
0x31: {  	[tilespmem:s13], [sflag:$0x1] =	stream.indirect_vreg.gather [hbm4b:s3+s2], $0x80, v3, vm0, $0xb8;
	[tilespmem:$0x8080] =	vst v63  }
0x32: {  	v3 =	vld [tilespmem:$0x30];
	_ =	sdelay $0x4  }
0x33: {  	v59 =	vshll.u32 v3, $0x1  }
0x34: {  	v3 =	vand.u32 $0x7, v3;
	v4 =	vand.u32 $0xFFFFFFF0, v59  }
0x35: {  	v3 =	vor.u32 v3, v4  }
0x36: {  	v4 =	vperm.xlane v3, v0;
	_ =	sdelay $0x1  }
0x37: {  	v3 =	vperm.xlane v3, v2;
	v4 =	vadd.s32 v1, v4;
	_ =	sdelay $0x1  }
0x38: {  	v3 =	vadd.s32 v1, v3;
	_ =	sdelay $0x2  }
0x39: {  	[tilespmem:s14], [sflag:$0x1] =	stream.indirect_vreg.gather [hbm4b:s3+s2], $0x80, v4, vm0, $0xb8;
	[tilespmem:$0x8080] =	vst v63  }
0x3a: {  	_ = 	snop  }
0x3b: {  	[tilespmem:s15], [sflag:$0x1] =	stream.indirect_vreg.gather [hbm4b:s3+s2], $0x80, v3, vm0, $0xb8;
	[tilespmem:$0x8080] =	vst v63  }
0x3c: {  	v3 =	vld [tilespmem:$0x40];
	_ =	sdelay $0x4  }
0x3d: {  	v60 =	vshll.u32 v3, $0x1  }
0x3e: {  	v3 =	vand.u32 $0x7, v3;
	v4 =	vand.u32 $0xFFFFFFF0, v60  }
0x3f: {  	v3 =	vor.u32 v3, v4  }
0x40: {  	v4 =	vperm.xlane v3, v0;
	_ =	sdelay $0x1  }
0x41: {  	v3 =	vperm.xlane v3, v2;
	v4 =	vadd.s32 v1, v4;
	_ =	sdelay $0x1  }
0x42: {  	v3 =	vadd.s32 v1, v3;
	_ =	sdelay $0x2  }
0x43: {  	[tilespmem:s16], [sflag:$0x1] =	stream.indirect_vreg.gather [hbm4b:s3+s2], $0x80, v4, vm0, $0xb8;
	[tilespmem:$0x8080] =	vst v63  }
0x44: {  	_ = 	snop  }
0x45: {  	[tilespmem:s17], [sflag:$0x1] =	stream.indirect_vreg.gather [hbm4b:s3+s2], $0x80, v3, vm0, $0xb8;
	[tilespmem:$0x8080] =	vst v63  }
0x46: {  	v3 =	vld [tilespmem:$0x50];
	_ =	sdelay $0x4  }
0x47: {  	v61 =	vshll.u32 v3, $0x1  }
0x48: {  	v3 =	vand.u32 $0x7, v3;
	v4 =	vand.u32 $0xFFFFFFF0, v61  }
0x49: {  	v3 =	vor.u32 v3, v4  }
0x4a: {  	v4 =	vperm.xlane v3, v0;
	_ =	sdelay $0x1  }
0x4b: {  	v3 =	vperm.xlane v3, v2;
	v4 =	vadd.s32 v1, v4;
	_ =	sdelay $0x1  }
0x4c: {  	v3 =	vadd.s32 v1, v3;
	_ =	sdelay $0x2  }
0x4d: {  	[tilespmem:s18], [sflag:$0x1] =	stream.indirect_vreg.gather [hbm4b:s3+s2], $0x80, v4, vm0, $0xb8;
	[tilespmem:$0x8080] =	vst v63  }
0x4e: {  	_ = 	snop  }
0x4f: {  	[tilespmem:s19], [sflag:$0x1] =	stream.indirect_vreg.gather [hbm4b:s3+s2], $0x80, v3, vm0, $0xb8;
	[tilespmem:$0x8080] =	vst v63  }
0x50: {  	v3 =	vld [tilespmem:$0x60];
	_ =	sdelay $0x4  }
0x51: {  	v62 =	vshll.u32 v3, $0x1  }
0x52: {  	v3 =	vand.u32 $0x7, v3;
	v4 =	vand.u32 $0xFFFFFFF0, v62  }
0x53: {  	v3 =	vor.u32 v3, v4  }
0x54: {  	v4 =	vperm.xlane v3, v0;
	_ =	sdelay $0x1  }
0x55: {  	v3 =	vperm.xlane v3, v2;
	v4 =	vadd.s32 v1, v4;
	_ =	sdelay $0x1  }
0x56: {  	v3 =	vadd.s32 v1, v3;
	_ =	sdelay $0x2  }
0x57: {  	[tilespmem:s20], [sflag:$0x1] =	stream.indirect_vreg.gather [hbm4b:s3+s2], $0x80, v4, vm0, $0xb8;
	[tilespmem:$0x8080] =	vst v63  }
0x58: {  	_ = 	snop  }
0x59: {  	[tilespmem:s21], [sflag:$0x1] =	stream.indirect_vreg.gather [hbm4b:s3+s2], $0x80, v3, vm0, $0xb8;
	[tilespmem:$0x8080] =	vst v63  }
0x5a: {  	v3 =	vld [tilespmem:$0x70];
	_ =	sdelay $0x4  }
0x5b: {  	v63 =	vshll.u32 v3, $0x1  }
0x5c: {  	v3 =	vand.u32 $0x7, v3;
	v4 =	vand.u32 $0xFFFFFFF0, v63  }
0x5d: {  	v3 =	vor.u32 v3, v4  }
0x5e: {  	v4 =	vperm.xlane v3, v0;
	_ =	sdelay $0x1  }
0x5f: {  	v3 =	vperm.xlane v3, v2;
	v4 =	vadd.s32 v1, v4;
	_ =	sdelay $0x1  }
0x60: {  	v3 =	vadd.s32 v1, v3;
	_ =	sdelay $0x2  }
0x61: {  	[tilespmem:s22], [sflag:$0x1] =	stream.indirect_vreg.gather [hbm4b:s3+s2], $0x80, v4, vm0, $0xb8;
	[tilespmem:$0x8080] =	vst v63  }
0x62: {  	_ = 	snop  }
0x63: {  	[tilespmem:s23], [sflag:$0x1] =	stream.indirect_vreg.gather [hbm4b:s3+s2], $0x80, v3, vm0, $0xb8;
	[tilespmem:$0x8080] =	vst v63  }
0x64: {  	_ =	swait.ge [sflag:s24], $0x8000  }
0x65: {  	p0 =	sne.s32 s6, $0x1;
	[sflag:s24] =	ssyncset.done $0x0  }
.Ltmp0:
0x66: {  	[sflag:s24] =	ssyncadd.s32 $0xFFFF8000;
	(pc) =	sbr.rel @p0 .LBB2_1-.Ltmp0, $4  }
0x67: {  	[hbm4b:s5+s2] =	stream.linear.scatter [tilespmem:s8], [sflag:$0x2], $0x8000, $0x38;
	[tilespmem:$0x8080] =	vst v63  }
0x68: {  	_ =	swait.ge [sflag:s7], $0x8000  }
0x69: {  	[sflag:s7] =	ssyncset.done $0x0  }
0x6a: {  	s6 =	sadd.s32 $0xFFFFFFFF, s6;
	[sflag:s7] =	ssyncadd.s32 $0xFFFF8000  }
0x6b: {  	_ =	sfence.sel $0x180000  }
0x6c: {  	[bflag:$0x0] =	sbarrier.arrive $0xFFFF  }
0x6d: {  	p0 =	sne.s32 s1, $0x0;
	_ =	strace $0x90000047  }
0x6e: {  	s0 =	sadd.s32 @!p0 $0x100000, s0;
	[bflag:$0x2] =	sbarrier.arrive $0xFFFF  }
0x6f: {  	[sflag:s0] =	ssyncadd.tile.s32 @!p0 $0x1;
	_ =	shalt  }
.Lfunc_end2:
_tile_overlayer_lowered:
.L_overlay_start_2:
0x70: {  	(tag) =	ssettag $0x2  }
0x71: {  	s0 =	rddreg [dreg:$0x0];
	s2 =	stileid.u32  }
0x72: {  	s1 =	rddreg [dreg:$0x1];
	p0 =	sne.s32 s2, $0x0  }
0x73: {  	s3 =	rddreg [dreg:$0x2];
	[bflag:$0x3] =	sbarrier.arrive $0xFFFF;
	s2 =	simm.s32 @!p0 $0x1C02  }
0x74: {  	[timem:s3], [sflag:s2] =	dma.local @!p0 [hbm:s0], s1  }
0x75: {  	s0 =	simm.s32 @!p0 $0x2  }
0x76: {  	_ =	swait.ge @!p0 [sflag:s0], s1  }
0x77: {  	s1 =	ssub.s32 @!p0 $0x0, s1;
	[sflag:s0] =	ssyncset.done @!p0 $0x0  }
0x78: {  	[sflag:s0] =	ssyncadd.s32 @!p0 s1  }
0x79: {  	[bflag:$0x3] =	sbarrier.arrive $0xFFFF  }
0x7a: {  	_ =	shalt  }

</sc_bundles>
